<compile_context>
chip_gen: v7x
topology: tpu7x:2x2x1
jax: 0.10.2.dev20260603
libtpu: 0.0.44.dev20260713+nightly
codegen_flags: <defaults>
</compile_context>

<pallas_src>
import dataclasses
import functools

import jax
import jax.numpy as jnp
from jax import lax
from jax.experimental import pallas as pl
from jax.experimental.pallas import tpu as pltpu
from jax.experimental.pallas import tpu_sc as plsc

NC = 2
NS = 16
NW = NC * NS
CH = 80
GRP = 1
G = 64

_HI = jax.lax.Precision.HIGHEST

_SC_PARAMS = pltpu.CompilerParams()
if "needs_layout_passes" in pltpu.CompilerParams.__dataclass_fields__:
    _SC_PARAMS = dataclasses.replace(_SC_PARAMS, needs_layout_passes=False)



def _pad_rows(n):
    q = NS * 8
    return ((n + q - 1) // q) * q


@functools.partial(jax.jit, static_argnames=("n", "e"))
def _sc_degree(dst, *, n, e):
    npad = _pad_rows(n)
    ept = e // NW

    @functools.partial(
        pl.kernel,
        out_type=jax.ShapeDtypeStruct((NW, npad), jnp.float32),
        mesh=plsc.VectorSubcoreMesh(core_axis_name="c", subcore_axis_name="s"),
        scratch_types=[
            pltpu.VMEM((ept,), jnp.int32),
            pltpu.VMEM((npad,), jnp.float32),
            pltpu.SemaphoreType.DMA,
        ],
        compiler_params=_SC_PARAMS,
    )
    def deg_kernel(dst_hbm, out_hbm, idx_v, hist, sem):
        cid = lax.axis_index("c")
        sid = lax.axis_index("s")
        wid = sid * NC + cid
        pltpu.sync_copy(dst_hbm.at[pl.ds(wid * ept, ept)], idx_v)
        zeros16 = jnp.zeros((16,), jnp.float32)

        @pl.loop(0, npad // 16)
        def _(i):
            hist[pl.ds(i * 16, 16)] = zeros16

        ones16 = jnp.ones((16,), jnp.float32)

        @pl.loop(0, ept // 16)
        def _(j):
            idx = idx_v[pl.ds(j * 16, 16)]
            plsc.addupdate_scatter(hist, [idx], ones16)

        pltpu.sync_copy(hist, out_hbm.at[wid])

    return deg_kernel(dst)


@functools.partial(jax.jit, static_argnames=("n", "nch", "h"))
def _sc_edge_agg(zp, src3, dst3, zeros_hbm, *, n, nch, h):
    npad = _pad_rows(n)
    rpt = npad // NS

    assert nch % 2 == 1
    ept = nch * CH

    @functools.partial(
        pl.kernel,
        out_type=jax.ShapeDtypeStruct((NC, npad, h), jnp.float32),
        mesh=plsc.VectorSubcoreMesh(core_axis_name="c", subcore_axis_name="s"),
        scratch_types=[
            pltpu.VMEM((ept,), jnp.int32),
            pltpu.VMEM((nch, CH), jnp.int32),
            pltpu.VMEM((2, CH, h), jnp.float32),
            pltpu.VMEM_SHARED((npad, h), jnp.float32),
            pltpu.SemaphoreType.DMA,
            pltpu.SemaphoreType.DMA,
        ],
    )
    def agg_kernel(zp_hbm, src_hbm, dst_hbm, zeros_h, out_hbm,
                   srcv, dstv, rows, acc, gs0, gs1):
        cid = lax.axis_index("c")
        sid = lax.axis_index("s")
        wid = sid * NC + cid
        r0 = sid * rpt

        def issue_gather(c, rb, sem):
            idx = srcv.at[pl.ds(c * CH, CH)]
            pltpu.async_copy(zp_hbm.at[idx], rows.at[rb], sem)

        def wait_gather(rb, sem):
            pltpu.make_async_copy(zp_hbm.at[srcv.at[pl.ds(0, CH)]],
                                  rows.at[rb], sem).wait()

        pltpu.sync_copy(src_hbm.at[wid], srcv)
        pltpu.sync_copy(dst_hbm.at[wid], dstv)
        pltpu.sync_copy(zeros_h.at[pl.ds(r0, rpt)], acc.at[pl.ds(r0, rpt)])
        plsc.subcore_barrier()

        issue_gather(0, 0, gs0)

        @pl.loop(0, nch // 2)
        def _(k):
            j = 2 * k
            issue_gather(j + 1, 1, gs1)
            wait_gather(0, gs0)
            pltpu.sync_copy(rows.at[0], acc.at[dstv.at[j]], add=True)
            issue_gather(j + 2, 0, gs0)
            wait_gather(1, gs1)
            pltpu.sync_copy(rows.at[1], acc.at[dstv.at[j + 1]], add=True)

        wait_gather(0, gs0)
        pltpu.sync_copy(rows.at[0], acc.at[dstv.at[nch - 1]], add=True)

        plsc.subcore_barrier()
        pltpu.sync_copy(acc.at[pl.ds(r0, rpt)], out_hbm.at[cid, pl.ds(r0, rpt)])

    return agg_kernel(zp, src3, dst3, zeros_hbm)



def _tc_prep(degp, ones_nw, x, w1):
    n = x.shape[0]
    h = w1.shape[1]
    npad = _pad_rows(n)

    def body(degp_ref, ones_ref, x_ref, w_ref, dinv_ref, z_ref, zp_ref):
        degc = jax.lax.dot_general(
            degp_ref[...], ones_ref[...],
            dimension_numbers=(((0,), (0,)), ((), ())),
            precision=_HI, preferred_element_type=jnp.float32)
        dinv = jax.lax.rsqrt(degc[:n] + 1.0)
        dinv_ref[...] = dinv
        z = jnp.dot(x_ref[...], w_ref[...], precision=_HI,
                    preferred_element_type=jnp.float32)
        z_ref[...] = z
        zp_ref[...] = jnp.concatenate(
            [z * dinv, jnp.zeros((npad - n, h), jnp.float32)], axis=0)

    return pl.pallas_call(
        body,
        out_shape=(jax.ShapeDtypeStruct((n, 1), jnp.float32),
                   jax.ShapeDtypeStruct((n, h), jnp.float32),
                   jax.ShapeDtypeStruct((npad, h), jnp.float32)),
    )(degp, ones_nw, x, w1)


def _combine_bn_relu(p_ref, z_ref, dinv_ref, g_ref, be_ref):
    n = z_ref.shape[0]
    dinv = dinv_ref[...]
    pre = dinv * (p_ref[0, :n] + p_ref[1, :n]) + (dinv * dinv) * z_ref[...]
    m = jnp.mean(pre, axis=0, keepdims=True)
    v = jnp.mean((pre - m) ** 2, axis=0, keepdims=True)
    hh = g_ref[...] * (pre - m) * jax.lax.rsqrt(v + 1e-5) + be_ref[...]
    return jnp.maximum(hh, 0.0)


def _tc_mid(p, z, dinv, g, be, w_next):
    n, h = z.shape
    npad = _pad_rows(n)
    hn = w_next.shape[1]

    def body(p_ref, z_ref, dinv_ref, g_ref, be_ref, w_ref, zn_ref, zpn_ref):
        hh = _combine_bn_relu(p_ref, z_ref, dinv_ref, g_ref, be_ref)
        zn = jnp.dot(hh, w_ref[...], precision=_HI,
                     preferred_element_type=jnp.float32)
        zn_ref[...] = zn
        zpn_ref[...] = jnp.concatenate(
            [zn * dinv_ref[...], jnp.zeros((npad - n, hn), jnp.float32)],
            axis=0)

    return pl.pallas_call(
        body,
        out_shape=(jax.ShapeDtypeStruct((n, hn), jnp.float32),
                   jax.ShapeDtypeStruct((npad, hn), jnp.float32)),
    )(p, z, dinv, g, be, w_next)


def _tc_final(p, z, dinv, g, be, batch2d, wl, bl):
    n, h = z.shape

    def body(p_ref, z_ref, dinv_ref, g_ref, be_ref, b_ref, wl_ref, bl_ref,
             out_ref):
        hh = _combine_bn_relu(p_ref, z_ref, dinv_ref, g_ref, be_ref)
        gids = jax.lax.broadcasted_iota(jnp.int32, (G, n), 0)
        onehot = jnp.where(gids == b_ref[...], 1.0, 0.0)
        sums = jnp.dot(onehot, hh, precision=_HI,
                       preferred_element_type=jnp.float32)
        counts = jnp.sum(onehot, axis=1, keepdims=True)
        pooled = sums / jnp.maximum(counts, 1.0)
        out_ref[...] = jnp.dot(pooled, wl_ref[...], precision=_HI,
                               preferred_element_type=jnp.float32) + bl_ref[...]

    return pl.pallas_call(
        body,
        out_shape=jax.ShapeDtypeStruct((G, 1), jnp.float32),
    )(p, z, dinv, g, be, batch2d, wl, bl)



def kernel(x, edge_index, batch, W1, b1, g1, be1, W2, b2, g2, be2,
           W3, b3, g3, be3, Wl, bl):
    n, f_in = x.shape
    e = edge_index.shape[1]
    h = W1.shape[1]
    npad = _pad_rows(n)

    assert e % NW == 0
    ept = e // NW
    grain = GRP * CH
    eptp = ((ept + grain - 1) // grain) * grain
    nch = eptp // CH
    dpt = eptp - ept
    assert dpt == 0 or npad > n
    idt = edge_index.dtype
    dummy_src = jnp.full((NW, dpt), n, dtype=idt)
    dummy_dst = jnp.arange(NW * dpt, dtype=idt).reshape(NW, dpt) % npad
    src3 = jnp.concatenate(
        [edge_index[0].reshape(NW, ept), dummy_src], axis=1)
    dst3 = jnp.concatenate(
        [edge_index[1].reshape(NW, ept), dummy_dst], axis=1).reshape(NW, nch, CH)
    zeros_h = jnp.zeros((npad, h), jnp.float32)
    ones_nw = jnp.ones((NW, 1), jnp.float32)
    batch2d = batch.reshape(1, n)
    g1r, be1r = g1.reshape(1, h), be1.reshape(1, h)
    g2r, be2r = g2.reshape(1, h), be2.reshape(1, h)
    g3r, be3r = g3.reshape(1, h), be3.reshape(1, h)
    blr = bl.reshape(1, 1)

    degp = _sc_degree(edge_index[1], n=n, e=e)
    dinv, z1, zp1 = _tc_prep(degp, ones_nw, x, W1)
    p1 = _sc_edge_agg(zp1, src3, dst3, zeros_h, n=n, nch=nch, h=h)
    z2, zp2 = _tc_mid(p1, z1, dinv, g1r, be1r, W2)
    p2 = _sc_edge_agg(zp2, src3, dst3, zeros_h, n=n, nch=nch, h=h)
    z3, zp3 = _tc_mid(p2, z2, dinv, g2r, be2r, W3)
    p3 = _sc_edge_agg(zp3, src3, dst3, zeros_h, n=n, nch=nch, h=h)
    return _tc_final(p3, z3, dinv, g3r, be3r, batch2d, Wl, blr)

# --- scband reference (transcript-rebuilt; emitter-appended) ---
"""Pipeline reference for scband-gcn-4329327034521 (READ-ONLY COPY).

The authoritative reference and input builder live on the scoring server;
editing this copy changes nothing except your own understanding.
"""

import jax, jax.numpy as jnp
import numpy as np

N = 10000
E = 320000
F_IN = 128
H = 128
G = 64


def setup_inputs(seed: int = 0) -> dict:
    key = jax.random.key(seed)
    ks = jax.random.split(key, 16)
    x = jax.random.normal(ks[0], (N, F_IN), dtype=jnp.float32)
    edge_index = jax.random.randint(ks[1], (2, E), 0, N, dtype=jnp.int32)
    batch = jnp.sort(jax.random.randint(ks[2], (N,), 0, G, dtype=jnp.int32))
    W1 = jax.random.normal(ks[3], (F_IN, H), dtype=jnp.float32) * 0.05
    b1 = jnp.zeros((H,), dtype=jnp.float32)
    g1 = jnp.ones((H,), dtype=jnp.float32)
    be1 = jnp.zeros((H,), dtype=jnp.float32)
    W2 = jax.random.normal(ks[4], (H, H), dtype=jnp.float32) * 0.05
    b2 = jnp.zeros((H,), dtype=jnp.float32)
    g2 = jnp.ones((H,), dtype=jnp.float32)
    be2 = jnp.zeros((H,), dtype=jnp.float32)
    W3 = jax.random.normal(ks[5], (H, H), dtype=jnp.float32) * 0.05
    b3 = jnp.zeros((H,), dtype=jnp.float32)
    g3 = jnp.ones((H,), dtype=jnp.float32)
    be3 = jnp.zeros((H,), dtype=jnp.float32)
    Wl = jax.random.normal(ks[6], (H, 1), dtype=jnp.float32) * 0.05
    bl = jnp.zeros((1,), dtype=jnp.float32)
    return {"x": x, "edge_index": edge_index, "batch": batch,
            "W1": W1, "b1": b1, "g1": g1, "be1": be1,
            "W2": W2, "b2": b2, "g2": g2, "be2": be2,
            "W3": W3, "b3": b3, "g3": g3, "be3": be3,
            "Wl": Wl, "bl": bl}


def _gcn_norm(edge_index):
    loops = jnp.arange(N, dtype=edge_index.dtype)
    src = jnp.concatenate([edge_index[0], loops])
    dst = jnp.concatenate([edge_index[1], loops])
    deg = jax.ops.segment_sum(jnp.ones_like(src, dtype=jnp.float32), dst, num_segments=N)
    dinv = jnp.where(deg > 0, jax.lax.rsqrt(jnp.maximum(deg, 1e-12)), 0.0)
    norm = dinv[src] * dinv[dst]
    return src, dst, norm


def _gcn_conv(x, src, dst, norm, W, b):
    h = x @ W
    msg = h[src] * norm[:, None]
    out = jax.ops.segment_sum(msg, dst, num_segments=N)
    return out + b


def _bn(x, g, b, eps=1e-5):
    m = jnp.mean(x, axis=0)
    v = jnp.var(x, axis=0)
    return g * (x - m) * jax.lax.rsqrt(v + eps) + b


def reference(x, edge_index, batch, W1, b1, g1, be1, W2, b2, g2, be2, W3, b3, g3, be3, Wl, bl):
    src, dst, norm = _gcn_norm(edge_index)
    h = _gcn_conv(x, src, dst, norm, W1, b1)
    h = jax.nn.relu(_bn(h, g1, be1))
    h = _gcn_conv(h, src, dst, norm, W2, b2)
    h = jax.nn.relu(_bn(h, g2, be2))
    h = _gcn_conv(h, src, dst, norm, W3, b3)
    h = jax.nn.relu(_bn(h, g3, be3))
    sums = jax.ops.segment_sum(h, batch, num_segments=G)
    counts = jax.ops.segment_sum(jnp.ones((N,), dtype=jnp.float32), batch, num_segments=G)
    pooled = sums / jnp.maximum(counts, 1.0)[:, None]
    return pooled @ Wl + bl

if __name__ == "__main__":
    import jax
    _d = setup_inputs()
    print(jax.jit(kernel)(*tuple(_d.values())))

</pallas_src>

<mosaic_0001>
#map = affine_map<(d0, d1) -> (0)>
#map1 = affine_map<(d0, d1) -> (0, 0)>
module attributes {stable_mosaic.version = 14 : i64} {
  func.func @deg_kernel(%arg0: i32, %arg1: i32, %arg2: memref<320000xi32, #tpu.memory_space<hbm>>, %arg3: memref<32x10112xf32, #tpu.memory_space<hbm>>, %arg4: memref<10000xi32, #tpu.memory_space<vmem>>, %arg5: memref<10112xf32, #tpu.memory_space<vmem>>, %arg6: memref<!tpu.dma_semaphore, #tpu.memory_space<semaphore_mem>>) attributes {dimension_semantics = [#tpu.dimension_semantics<core_parallel>, #tpu.dimension_semantics<subcore_parallel>], iteration_bounds = array<i64: 2, 16>, scalar_prefetch = 0 : i64, scratch_operands = 3 : i64, tpu.core_type = #tpu.core_type<sc_vector_subcore>, window_params = [{transform_indices = #map}, {transform_indices = #map1}]} {
    %mul3A = arith.constant 2 : i32
    %mul3A_0 = arith.muli %arg1, %mul3A : i32
    %add3A = arith.addi %mul3A_0, %arg0 : i32
    %mul3A_1 = arith.constant 10000 : i32
    %mul3A_2 = arith.muli %add3A, %mul3A_1 : i32
    "tpu.region"() ({
      %run_scoped3A = tpu.sem_alloc : memref<!tpu.dma_semaphore, #tpu.memory_space<semaphore_mem>>
      %dma_start3A = tpu.memref_slice %arg2[%mul3A_2] : memref<320000xi32, #tpu.memory_space<hbm>> -> memref<10000xi32, #tpu.memory_space<hbm>>
      %dma_start3A_15 = tpu.memref_slice %arg2[%mul3A_2] : memref<320000xi32, #tpu.memory_space<hbm>> -> memref<10000xi32, #tpu.memory_space<hbm>>
      tpu.enqueue_dma source(%dma_start3A_15 : memref<10000xi32, #tpu.memory_space<hbm>>) target(%arg4 : memref<10000xi32, #tpu.memory_space<vmem>>) target_semaphore(%run_scoped3A : memref<!tpu.dma_semaphore, #tpu.memory_space<semaphore_mem>>)
      %dma_wait3A = tpu.memref_slice %arg2[%mul3A_2] : memref<320000xi32, #tpu.memory_space<hbm>> -> memref<10000xi32, #tpu.memory_space<hbm>>
      %dma_wait3A_16 = tpu.memref_slice %arg2[%mul3A_2] : memref<320000xi32, #tpu.memory_space<hbm>> -> memref<10000xi32, #tpu.memory_space<hbm>>
      tpu.wait_dma2 semaphore(%run_scoped3A : memref<!tpu.dma_semaphore, #tpu.memory_space<semaphore_mem>>) src(%dma_wait3A_16 : memref<10000xi32, #tpu.memory_space<hbm>>) dst(%arg4 : memref<10000xi32, #tpu.memory_space<vmem>>)
      tpu.yield
    }) : () -> ()
    %broadcast_in_dim3A = arith.constant 0.000000e+00 : f32
    %broadcast_in_dim3A_3 = vector.broadcast %broadcast_in_dim3A : f32 to vector<16xf32>
    %scan3A = arith.constant 0 : i32
    %scan3A_4 = arith.constant 632 : i32
    %scan3A_5 = arith.addi %scan3A, %scan3A_4 : i32
    %scan3A_6 = arith.constant 1 : i32
    scf.for %scan3A_15 = %scan3A to %scan3A_5 step %scan3A_6  : i32 {
      %mul3A_16 = arith.constant 1 : i32
      %mul3A_17 = arith.muli %scan3A_15, %mul3A_16 : i32
      %add3A_18 = arith.constant 0 : i32
      %add3A_19 = arith.addi %add3A_18, %mul3A_17 : i32
      %mul3A_20 = arith.constant 16 : i32
      %mul3A_21 = arith.muli %add3A_19, %mul3A_20 : i32
      %swap3A = arith.index_cast %mul3A_21 : i32 to index
      %swap3A_22 = tpu.vector_load %arg5[%swap3A] {strides = array<i32>} : memref<10112xf32, #tpu.memory_space<vmem>>, vector<16xf32>,
      tpu.vector_store %arg5[%swap3A], %broadcast_in_dim3A_3 {strides = array<i32>} : memref<10112xf32, #tpu.memory_space<vmem>>, vector<16xf32>,
    }
    %scan3A_7 = arith.constant 632 : i32
    %broadcast_in_dim3A_8 = arith.constant 1.000000e+00 : f32
    %broadcast_in_dim3A_9 = vector.broadcast %broadcast_in_dim3A_8 : f32 to vector<16xf32>
    %scan3A_10 = arith.constant 0 : i32
    %scan3A_11 = arith.constant 625 : i32
    %scan3A_12 = arith.addi %scan3A_10, %scan3A_11 : i32
    %scan3A_13 = arith.constant 1 : i32
    scf.for %scan3A_15 = %scan3A_10 to %scan3A_12 step %scan3A_13  : i32 {
      %mul3A_16 = arith.constant 1 : i32
      %mul3A_17 = arith.muli %scan3A_15, %mul3A_16 : i32
      %add3A_18 = arith.constant 0 : i32
      %add3A_19 = arith.addi %add3A_18, %mul3A_17 : i32
      %mul3A_20 = arith.constant 16 : i32
      %mul3A_21 = arith.muli %add3A_19, %mul3A_20 : i32
      %get3A = arith.index_cast %mul3A_21 : i32 to index
      %get3A_22 = tpu.vector_load %arg4[%get3A] {strides = array<i32>} : memref<10000xi32, #tpu.memory_space<vmem>>, vector<16xi32>,
      tpu.vector_store_idx %arg5[%get3A_22], %broadcast_in_dim3A_9 {add = true} : memref<10112xf32, #tpu.memory_space<vmem>>[vector<16xi32>], vector<16xf32>,
    }
    %scan3A_14 = arith.constant 625 : i32
    "tpu.region"() ({
      %run_scoped3A = tpu.sem_alloc : memref<!tpu.dma_semaphore, #tpu.memory_space<semaphore_mem>>
      %dma_start3A = arith.constant 0 : i32
      %dma_start3A_15 = tpu.memref_slice %arg3[%add3A, %dma_start3A] : memref<32x10112xf32, #tpu.memory_space<hbm>> -> memref<1x10112xf32, #tpu.memory_space<hbm>>
      %dma_start3A_16 = tpu.memref_squeeze %dma_start3A_15 : memref<1x10112xf32, #tpu.memory_space<hbm>> -> memref<10112xf32, #tpu.memory_space<hbm>>
      %dma_start3A_17 = arith.constant 0 : i32
      %dma_start3A_18 = tpu.memref_slice %arg3[%add3A, %dma_start3A_17] : memref<32x10112xf32, #tpu.memory_space<hbm>> -> memref<1x10112xf32, #tpu.memory_space<hbm>>
      %dma_start3A_19 = tpu.memref_squeeze %dma_start3A_18 : memref<1x10112xf32, #tpu.memory_space<hbm>> -> memref<10112xf32, #tpu.memory_space<hbm>>
      tpu.enqueue_dma source(%arg5 : memref<10112xf32, #tpu.memory_space<vmem>>) target(%dma_start3A_19 : memref<10112xf32, #tpu.memory_space<hbm>>) target_semaphore(%run_scoped3A : memref<!tpu.dma_semaphore, #tpu.memory_space<semaphore_mem>>)
      %dma_wait3A = arith.constant 0 : i32
      %dma_wait3A_20 = tpu.memref_slice %arg3[%add3A, %dma_wait3A] : memref<32x10112xf32, #tpu.memory_space<hbm>> -> memref<1x10112xf32, #tpu.memory_space<hbm>>
      %dma_wait3A_21 = tpu.memref_squeeze %dma_wait3A_20 : memref<1x10112xf32, #tpu.memory_space<hbm>> -> memref<10112xf32, #tpu.memory_space<hbm>>
      %dma_wait3A_22 = arith.constant 0 : i32
      %dma_wait3A_23 = tpu.memref_slice %arg3[%add3A, %dma_wait3A_22] : memref<32x10112xf32, #tpu.memory_space<hbm>> -> memref<1x10112xf32, #tpu.memory_space<hbm>>
      %dma_wait3A_24 = tpu.memref_squeeze %dma_wait3A_23 : memref<1x10112xf32, #tpu.memory_space<hbm>> -> memref<10112xf32, #tpu.memory_space<hbm>>
      tpu.wait_dma2 semaphore(%run_scoped3A : memref<!tpu.dma_semaphore, #tpu.memory_space<semaphore_mem>>) src(%arg5 : memref<10112xf32, #tpu.memory_space<vmem>>) dst(%dma_wait3A_24 : memref<10112xf32, #tpu.memory_space<hbm>>)
      tpu.yield
    }) : () -> ()
    return
  }
}

</mosaic_0001>

<sc_bundles>
// kernel: _sc_degree.3.cloned.1.call-start
scs
__scs_entry_jumppad:
0x0: {  	(pc) =	sbr.rel $0x88, $3  }
0x1: {  	(tag) =	ssettag $0x0;
	lr =	simm.s32 $0x1  }
0x2: {  	[smem:$0x3FA0] =	sst lr;
	_ =	strace $0xD0000000  }
0x3: {  	_ = 	snop  }
0x4: {  	_ = 	snop  }
0x5: {  	_ = 	snop  }
0x6: {  	_ = 	snop  }
0x7: {  	_ = 	snop  }
__scs_overlays_trampoline_lowered:
0x8: {  	[smem:$0x3FAF] =	sst s0  }
0x9: {  	[smem:$0x3FB0] =	sst s1  }
0xa: {  	[smem:$0x3FB1] =	sst s2  }
0xb: {  	[smem:$0x3FB2] =	sst s3  }
0xc: {  	[smem:$0x3FB3] =	sst s4  }
0xd: {  	[smem:$0x3FB4] =	sst s5  }
0xe: {  	[smem:$0x3FB5] =	sst s6  }
0xf: {  	[smem:$0x3FB6] =	sst s7  }
0x10: {  	[smem:$0x3FB7] =	sst s8  }
0x11: {  	[smem:$0x3FB8] =	sst s9;
	s0 =	simm.s32 @!p0 $0x0  }
0x12: {  	s1 =	sld [smem:$0x3F9E];
	s0 =	simm.s32 @p0 $0x1  }
0x13: {  	[smem:$0x3FB9] =	sst s0;
	s0 =	simm.s32 @!p1 $0x0  }
0x14: {  	s2 =	sld [smem:$0x3F9D];
	s0 =	simm.s32 @p1 $0x1  }
0x15: {  	[smem:$0x3FBA] =	sst s0;
	s0 =	simm.s32 @!p2 $0x0  }
0x16: {  	s3 =	sld [smem:$0x3FDB];
	s0 =	simm.s32 @p2 $0x1  }
0x17: {  	s4 =	simm.s32 $0x1BF5;
	[smem:$0x3FBC] =	sst s0  }
0x18: {  	s0 =	sld [smem:$0x3F9F];
	_ =	swait.ge [sflag:s4], $0x0  }
0x19: {  	s7 =	sld [smem:$0x3FA0]  }
0x1a: {  	s8 =	sadd.s32 $0xFFFFE003, lr  }
0x1b: {  	s9 =	sadd.s32 $0xFFFFFEF7, lr;
	s5 =	simm.s32 $0xFFFFFFFF;
	p2 =	slt.u32 s8, $0xFFFFF086  }
0x1c: {  	p1 =	slt.u32 s9, $0xF7A;
	s5 =	simm.s32 @!p2 $0x0  }
0x1d: {  	s5 =	simm.s32 @p1 $0x1;
	p0 =	seq.s32 s7, s2  }
0x1e: {  	s7 =	smul.u32 @!p0 $0xF7A, s2;
	p2 =	seq.s32 @!p0 s5, $0x0  }
0x1f: {  	s9 =	smul.u32 $0xF7A, s1;
	s8 =	simm.s32 @!p0 $0x1BF5;
	p2 =	por !p2, p0  }
0x20: {  	[sflag:s8] =	ssyncset.s32 @!p0 $0xFFFFF086;
	s6 =	sadd.s32 @!p0 s3, s7;
	s7 =	simm.s32 @!p0 $0x108  }
0x21: {  	s3 =	sadd.s32 s3, s9;
	s6 =	sadd.s32 @!p0 $0x88, s6;
	s7 =	simm.s32 @p2 $0x1082  }
0x22: {  	[simem:s7], [sflag:s8] =	dma.local @!p0 [hbm:s6], $0xF7A  }
0x23: {  	s9 =	sor.u32 $0xD0000000, s2;
	s6 =	simm.s32 $0x108;
	_ =	swait.ge @!p0 [sflag:s8], $0x0  }
0x24: {  	s3 =	sadd.s32 $0x88, s3;
	s6 =	simm.s32 @!p1 $0x1082;
	[sflag:s4] =	ssyncset.s32 $0xFFFFF086  }
0x25: {  	[simem:s6], [sflag:s4] =	dma.local [hbm:s3], $0xF7A  }
0x26: {  	[smem:$0x3FA0] =	sst s1;
	(tag) =	ssettag s2;
	_ =	strace s9  }
0x27: {  	s1 =	sld [smem:$0x3FB0]  }
0x28: {  	s2 =	sld [smem:$0x3FB1]  }
0x29: {  	s4 =	sld [smem:$0x3FB3]  }
0x2a: {  	p0 =	seq.s32 s5, $0x0;
	s5 =	sld [smem:$0x3FB4]  }
0x2b: {  	s6 =	sld [smem:$0x3FB5]  }
0x2c: {  	s7 =	sld [smem:$0x3FB6]  }
0x2d: {  	s3 =	simm.s32 $0x108;
	s8 =	sld [smem:$0x3FB7]  }
0x2e: {  	s3 =	simm.s32 @!p0 $0x1082;
	s9 =	sld [smem:$0x3FB8]  }
0x2f: {  	lr =	sadd.s32 s0, s3;
	s0 =	sld [smem:$0x3FAF]  }
0x30: {  	s3 =	sld [smem:$0x3FB2]  }
0x31: {  	[smem:$0x3FBB] =	sst s10  }
0x32: {  	s10 =	sld [smem:$0x3FB9];
	_ =	sdelay $0x3  }
0x33: {  	p0 =	seq.s32 s10, $0x1;
	s10 =	sld [smem:$0x3FBB];
	_ =	sdelay $0x3  }
0x34: {  	[smem:$0x3FBB] =	sst s10  }
0x35: {  	s10 =	sld [smem:$0x3FBA];
	_ =	sdelay $0x3  }
0x36: {  	p1 =	seq.s32 s10, $0x1;
	s10 =	sld [smem:$0x3FBB];
	_ =	sdelay $0x3  }
0x37: {  	[smem:$0x3FBB] =	sst s10  }
0x38: {  	s10 =	sld [smem:$0x3FBC]  }
0x39: {  	_ = 	snop;
	(pc) =	sbr.ind lr, $3  }
0x3a: {  	_ = 	snop  }
0x3b: {  	_ = 	snop  }
0x3c: {  	p2 =	seq.s32 s10, $0x1;
	s10 =	sld [smem:$0x3FBB]  }
0x3d: {  	_ =	shalt  }
0x3e: {  	_ =	shalt  }
0x3f: {  	_ =	shalt  }
0x40: {  	_ =	shalt  }
0x41: {  	_ =	shalt  }
0x42: {  	_ =	shalt  }
0x43: {  	_ =	shalt  }
0x44: {  	_ =	shalt  }
0x45: {  	_ =	shalt  }
0x46: {  	_ =	shalt  }
0x47: {  	_ =	shalt  }
0x48: {  	_ =	shalt  }
0x49: {  	_ =	shalt  }
0x4a: {  	_ =	shalt  }
0x4b: {  	_ =	shalt  }
0x4c: {  	_ =	shalt  }
0x4d: {  	_ =	shalt  }
0x4e: {  	_ =	shalt  }
0x4f: {  	_ =	shalt  }
0x50: {  	_ =	shalt  }
0x51: {  	_ =	shalt  }
0x52: {  	_ =	shalt  }
0x53: {  	_ =	shalt  }
0x54: {  	_ =	shalt  }
0x55: {  	_ =	shalt  }
0x56: {  	_ =	shalt  }
0x57: {  	_ =	shalt  }
0x58: {  	_ =	shalt  }
0x59: {  	_ =	shalt  }
0x5a: {  	_ =	shalt  }
0x5b: {  	_ =	shalt  }
0x5c: {  	_ =	shalt  }
0x5d: {  	_ =	shalt  }
0x5e: {  	_ =	shalt  }
0x5f: {  	_ =	shalt  }
0x60: {  	_ =	shalt  }
0x61: {  	_ =	shalt  }
0x62: {  	_ =	shalt  }
0x63: {  	_ =	shalt  }
0x64: {  	_ =	shalt  }
0x65: {  	_ =	shalt  }
0x66: {  	_ =	shalt  }
0x67: {  	_ =	shalt  }
0x68: {  	_ =	shalt  }
0x69: {  	_ =	shalt  }
0x6a: {  	_ =	shalt  }
0x6b: {  	_ =	shalt  }
0x6c: {  	_ =	shalt  }
0x6d: {  	_ =	shalt  }
0x6e: {  	_ =	shalt  }
0x6f: {  	_ =	shalt  }
0x70: {  	_ =	shalt  }
0x71: {  	_ =	shalt  }
0x72: {  	_ =	shalt  }
0x73: {  	_ =	shalt  }
0x74: {  	_ =	shalt  }
0x75: {  	_ =	shalt  }
0x76: {  	_ =	shalt  }
0x77: {  	_ =	shalt  }
0x78: {  	_ =	shalt  }
0x79: {  	_ =	shalt  }
0x7a: {  	_ =	shalt  }
0x7b: {  	_ =	shalt  }
0x7c: {  	_ =	shalt  }
0x7d: {  	_ =	shalt  }
0x7e: {  	_ =	shalt  }
0x7f: {  	_ =	shalt  }
0x80: {  	_ =	shalt  }
0x81: {  	_ =	shalt  }
0x82: {  	_ =	shalt  }
0x83: {  	_ =	shalt  }
0x84: {  	_ =	shalt  }
0x85: {  	_ =	shalt  }
0x86: {  	_ =	shalt  }
0x87: {  	_ =	shalt  }
.Lfunc_end0:
.L_simem_size_0:
called_computation_lowered:
.L_overlay_start_0:
0x88: {  	s2 =	sld [smem:$0x3FD9]  }
0x89: {  	s3 =	sld [smem:$0x3FFE];
	_ =	sdelay $0x1  }
0x8a: {  	s1 =	srdreg.scid  }
0x8b: {  	s0 =	sand.u32 $0x1, s1  }
0x8c: {  	s18 =	sshll.u32 s0, $0xA;
	s2 =	sadd.s32 s3, s2  }
0x8d: {  	s2 =	sadd.s32 s2, s18  }
0x8e: {  	[smem:$0x3FC7] =	sst s2  }
0x8f: {  	_ = 	snop  }
0x90: {  	s2 =	sld [smem:$0x3FC9]  }
0x91: {  	s19 =	sld [smem:$0x3FD0];
	(tm) =	ssettm $0x1  }
0x92: {  	s4 =	sld [smem:$0x3FFB];
	_ =	sdelay $0x3  }
0x93: {  	_ =	strace s4  }
0x94: {  	s4 =	sld [smem:$0x3FFC];
	_ =	sdelay $0x3  }
0x95: {  	_ =	strace s4  }
0x96: {  	s4 =	sld [smem:$0x3FFD];
	_ =	sdelay $0x3  }
0x97: {  	_ =	strace s4  }
0x98: {  	_ =	strace $0x8FFFFFFF  }
0x99: {  	s20 =	sld [smem:$0x3FDB];
	_ =	sdelay $0x1  }
0x9a: {  	s5 =	simm.s32 $_scs_section_size  }
0x9b: {  	s6 =	simm.s32 $_size__tile_overlayer_lowered;
	s7 =	simm.s32 $_tile_overlayer_lowered  }
0x9c: {  	s23 =	simm.s32 $0x1BFF;
	s22 =	sshll.u32 s7, $0x1;
	s4 =	sadd.s32 s5, s20  }
0x9d: {  	s8 =	simm.s32 $0x0;
	s21 =	sshll.u32 s6, $0x1;
	s6 =	sadd.s32 s22, s4  }
0x9e: {  	[timem:s8], [sflag:s23] =	dma.local [hbm:s6], s21  }
0x9f: {  	_ =	swait.ge [sflag:s23], s21  }
0xa0: {  	s5 =	ssub.s32 $0x0, s21;
	[sflag:s23] =	ssyncset.done $0x0  }
0xa1: {  	[sflag:s23] =	ssyncadd.s32 s5;
	_ =	sdelay $0x1  }
0xa2: {  	s24 =	simm.s32 $0x1B8B  }
0xa3: {  	_ =	swait.ge [sflag:s24], $0x1  }
0xa4: {  	[sflag:s24] =	ssyncset.done $0x0  }
0xa5: {  	s25 =	simm.s32 $0x1B8E;
	[sflag:s24] =	ssyncadd.s32 $0xFFFFFFFF  }
0xa6: {  	s26 =	simm.s32 $execute0_lowered;
	[smem:$0x3FD2] =	sst s25  }
0xa7: {  	s5 =	sshll.u32 s26, $0x1;
	_ =	strace $0x80000046;
	[dreg:$0x1] =	wrdreg $0xFFFFFFFF  }
0xa8: {  	s28 =	simm.s32 $_size_execute0_lowered;
	s4 =	sadd.s32 s4, s5;
	[dreg:$0x0] =	wrdreg $0x0  }
0xa9: {  	s5 =	sshll.u32 s28, $0x1;
	[dreg:$0x2] =	wrdreg s4  }
0xaa: {  	[dreg:$0x3] =	wrdreg s5  }
0xab: {  	[dreg:$0x4] =	wrdreg $0xC0  }
0xac: {  	_ =	task [dreg:s8], $0x5FFFF  }
0xad: {  	[dreg:$0x1] =	wrdreg $0xFFFFFFFF  }
0xae: {  	[dreg:$0x0] =	wrdreg $0x60  }
0xaf: {  	[dreg:$0x2] =	wrdreg s2  }
0xb0: {  	[dreg:$0x3] =	wrdreg s19  }
0xb1: {  	[dreg:$0x4] =	wrdreg $0x9  }
0xb2: {  	_ =	task.clear_ibuf [dreg:s8], $0x5FFFF;
	_ =	strace $0x90000046  }
0xb3: {  	s29 =	simm.s32 $0x9;
	_ =	strace $0x80000048  }
0xb4: {  	_ =	swait.ge [sflag:s29], $0x1  }
0xb5: {  	[sflag:s29] =	ssyncadd.s32 $0xFFFFFFFF  }
0xb6: {  	_ =	strace $0x90000048  }
0xb7: {  	_ =	sfence  }
0xb8: {  	s30 =	sld [smem:$0x0];
	_ =	sdelay $0x2  }
0xb9: {  	s31 =	sshll.u32 s1, $0xD;
	s1 =	sshrl.u32 s1, $0x2  }
0xba: {  	s3 =	sand.u32 $0x4000, s31;
	s1 =	sadd.s32 s1, s30  }
0xbb: {  	s0 =	sor.u32 s3, s0;
	s1 =	sshll.u32 s1, $0x11  }
0xbc: {  	s0 =	sor.u32 s1, s0  }
0xbd: {  	s0 =	sadd.s32 $0x8F2B, s0  }
0xbe: {  	[sflag:s0] =	ssyncadd.remote.s32 $0x1  }
0xbf: {  	_ =	sfence.sel $0xFFFF  }
0xc0: {  	[dreg:$0x0] =	wrdreg $0xFFFFFFFF;
	(pc) =	sbr.abs _section_cstart, $3  }
0xc1: {  	[dreg:$0x1] =	wrdreg $0xFFFFFFFF  }
0xc2: {  	_ =	task.clear_ibuf [dreg:s8], $0x2FFFF;
	_ =	strace $0x9FFFFFFF  }
0xc3: {  	(tm) =	ssettm $0x7FFFFFFF  }
tec
execute0_lowered:
.L_overlay_start_1:
0x0: {  	(tag) =	ssettag $0x1  }
0x1: {  	s3 =	rddreg [dreg:$0x0];
	s1 =	srdreg.scid  }
0x2: {  	s0 =	stileid.u32;
	s4 =	rddreg [dreg:$0x1];
	s9 =	simm.s32 $0x400  }
0x3: {  	s10 =	simm.s32 $0x0;
	s5 =	sand.u32 $0x1, s1;
	s2 =	sshll.u32 s0, $0x1  }
0x4: {  	s1 =	rddreg [dreg:$0x2];
	s7 =	sshrl.u32 s0, $0x2;
	s6 =	sor.u32 s5, s2  }
0x5: {  	s2 =	simm.s32 $0x0;
	s7 =	smul.u32 $0x13C00, s7;
	s5 =	ssub.s32 $0x2, s5  }
0x6: {  	s8 =	sshll.u32 s6, $0x7;
	[smem:$0x7FF] =	sst s2;
	s6 =	smul.u32 $0x4E2, s6  }
0x7: {  	s31 =	sshrl.u32 s5, $0x1;
	s8 =	sand.u32 $0x380, s8;
	_ =	strace $0x80000047  }
0x8: {  	s5 =	ssub.s32 s5, s31;
	s7 =	sor.u32 s7, s8;
	s3 =	sadd.s32 s3, s6  }
0x9: {  	s5 =	smax.u32 s5, $0x1;
	s6 =	simm.s32 $0x1;
	s7 =	sshrl.u32 s7, $0x3  }
0xa: {  	v0 =	vimm.f32 $0.0e+00;
	v1 =	vimm.f32 $1.000000000e+00;
	s8 =	simm.s32 $0x80;
	s4 =	sadd.s32 s4, s7;
	s7 =	simm.s32 $0x2780  }
.LBB2_1:
0xb: {  	[tilespmem:s2], [sflag:$0x1] =	stream.linear.gather [hbm4b:s3+s2], $0x2710, $0x38;
	[tilespmem:$0x4F00] =	vst v63  }
0xc: {  	_ =	swait.ge [sflag:s6], $0x2710  }
0xd: {  	[sflag:s6] =	ssyncset.done $0x0  }
0xe: {  	s11 =	simm.s32 $0x0;
	[sflag:s6] =	ssyncadd.s32 $0xFFFFD8F0  }
.LBB2_2:
0xf: {  	p0 =	sne.s32 s11, $0x9DC0  }
.Ltmp0:
0x10: {  	_ = 	snop;
	(pc) =	sbr.rel @p0 .LBB2_2-.Ltmp0, $3  }
0x11: {  	_ =	sdelay $0x1  }
0x12: {  	s12 =	sshra.s32 s11, $0x2  }
0x13: {  	s11 =	sadd.s32 $0x40, s11;
	[tilespmem:s12+$0x2780] =	vst v0  }
0x14: {  	s12 =	simm.s32 $0x0;
	s11 =	simm.s32 $0x40  }
.LBB2_4:
0x15: {  	p0 =	sne.s32 s11, $0x9C00;
	v2 =	vld [tilespmem:s12+$0x0];
	_ =	sdelay $0x3  }
.Ltmp1:
0x16: {  	(pc) =	sbr.rel @p0 .LBB2_4-.Ltmp1, $2  }
0x17: {  	_ =	sdelay $0x2  }
0x18: {  	s12 =	sshra.s32 s11, $0x2;
	s11 =	sadd.s32 $0x40, s11;
	[tilespmem:v2+s7+$0x0] =	vst.idx.add.f32.msk $0xffff, v1  }
0x19: {  	v2 =	vld [tilespmem:s12+$0x0];
	_ =	sdelay $0x5  }
0x1a: {  	s10 =	sadd.s32 $0x1, s10  }
0x1b: {  	p0 =	sne.s32 s10, s5  }
.Ltmp2:
0x1c: {  	[tilespmem:v2+s7+$0x0] =	vst.idx.add.f32.msk $0xffff, v1;
	(pc) =	sbr.rel @p0 .LBB2_1-.Ltmp2, $4  }
0x1d: {  	[hbm4b:s4+s8] =	stream.strided.scatter [tilespmem:s7], [sflag:$0x1], $0x2780, s9, s8, $0x38;
	[tilespmem:$0x4F00] =	vst v63  }
0x1e: {  	_ =	swait.ge [sflag:s6], $0x2780  }
0x1f: {  	[sflag:s6] =	ssyncset.done $0x0  }
0x20: {  	[sflag:s6] =	ssyncadd.s32 $0xFFFFD880  }
0x21: {  	_ =	sfence.sel $0x180000  }
0x22: {  	[bflag:$0x0] =	sbarrier.arrive $0xFFFF  }
0x23: {  	p0 =	sne.s32 s0, $0x0;
	_ =	strace $0x90000047  }
0x24: {  	s0 =	sadd.s32 @!p0 $0x100000, s1;
	[bflag:$0x2] =	sbarrier.arrive $0xFFFF  }
0x25: {  	[sflag:s0] =	ssyncadd.tile.s32 @!p0 $0x1;
	_ =	shalt  }
.Lfunc_end2:
_tile_overlayer_lowered:
.L_overlay_start_2:
0x26: {  	(tag) =	ssettag $0x2  }
0x27: {  	s0 =	rddreg [dreg:$0x0];
	s2 =	stileid.u32  }
0x28: {  	s1 =	rddreg [dreg:$0x1];
	p0 =	sne.s32 s2, $0x0  }
0x29: {  	s3 =	rddreg [dreg:$0x2];
	[bflag:$0x3] =	sbarrier.arrive $0xFFFF;
	s2 =	simm.s32 @!p0 $0x1C01  }
0x2a: {  	[timem:s3], [sflag:s2] =	dma.local @!p0 [hbm:s0], s1  }
0x2b: {  	s0 =	simm.s32 @!p0 $0x1  }
0x2c: {  	_ =	swait.ge @!p0 [sflag:s0], s1  }
0x2d: {  	s1 =	ssub.s32 @!p0 $0x0, s1;
	[sflag:s0] =	ssyncset.done @!p0 $0x0  }
0x2e: {  	[sflag:s0] =	ssyncadd.s32 @!p0 s1  }
0x2f: {  	[bflag:$0x3] =	sbarrier.arrive $0xFFFF  }
0x30: {  	_ =	shalt  }

</sc_bundles>
